<compile_context>
chip_gen: v7x
topology: tpu7x:2x2x1
jax: 0.10.2.dev20260603
libtpu: 0.0.44.dev20260713+nightly
codegen_flags: <defaults>
</compile_context>

<pallas_src>
import functools

import jax
import jax.numpy as jnp
from jax import lax
from jax.experimental import pallas as pl
from jax.experimental.pallas import tpu as pltpu
from jax.experimental.pallas import tpu_sc as plsc

VOCAB = 8192
D = 8192
NC, NS = 2, 16
NW = NC * NS
BT = 32 * 512
RPW = BT // NW
K = 4
NCHUNK = RPW // K
NBUF = 2


def _sc_gather(table, idx3):
  mesh = plsc.VectorSubcoreMesh(
      core_axis_name="c", subcore_axis_name="s", num_cores=NC,
      num_subcores=NS)

  @functools.partial(
      pl.kernel,
      mesh=mesh,
      out_type=jax.ShapeDtypeStruct((BT, D), jnp.float32),
      scratch_types=(
          [pltpu.VMEM((NCHUNK, K), jnp.int32)]
          + [pltpu.VMEM((K, D), jnp.float32) for _ in range(NBUF)]
          + [pltpu.SemaphoreType.DMA for _ in range(2 * NBUF)]
      ),
  )
  def k(table_hbm, idx_hbm, out_hbm, idx_v, *bufs_and_sems):
    bufs = bufs_and_sems[:NBUF]
    gsems = bufs_and_sems[NBUF:2 * NBUF]
    ssems = bufs_and_sems[2 * NBUF:]
    cid = lax.axis_index("c")
    sid = lax.axis_index("s")
    wid = sid * NC + cid
    base = wid * RPW

    pltpu.sync_copy(idx_hbm.at[wid], idx_v)

    def g_copy(c, b):
      return pltpu.make_async_copy(
          table_hbm.at[idx_v.at[c]], bufs[b], gsems[b])

    def s_copy(c, b):
      return pltpu.make_async_copy(
          bufs[b], out_hbm.at[pl.ds(base + c * K, K)], ssems[b])

    g_copy(0, 0).start()

    @pl.loop(0, NCHUNK, step=NBUF)
    def _(j0):
      for b in range(NBUF):
        c = j0 + b
        nb = (b + 1) % NBUF
        g_copy(c, b).wait()

        @pl.when(c + 1 >= NBUF)
        def _():
          s_copy(c + 1 - NBUF, nb).wait()

        @pl.when(c + 1 < NCHUNK)
        def _():
          g_copy(c + 1, nb).start()

        s_copy(c, b).start()

    for t in range(NCHUNK - NBUF + 1, NCHUNK):
      s_copy(t, t % NBUF).wait()

  return k(table, idx3)


def kernel(X, table):
  idx3 = X.reshape(NW, NCHUNK, K)
  out = _sc_gather(table, idx3)
  return out.reshape(X.shape[0], X.shape[1], VOCAB)

# --- scband reference (transcript-rebuilt; emitter-appended) ---
"""Pipeline reference for scband-bigram-language-model-81853486727979 (READ-ONLY COPY).

The authoritative reference and input builder live on the scoring server;
editing this copy changes nothing except your own understanding.
"""

import jax, jax.numpy as jnp
import numpy as np

VOCAB = 8192
B, T = 32, 512

def setup_inputs(seed: int = 0) -> dict:
    key = jax.random.key(seed)
    k1, k2 = jax.random.split(key)
    X = jax.random.randint(k1, (B, T), 0, VOCAB, dtype=jnp.int32)
    # learned parameter: nn.Embedding(vocab_size, vocab_size) weight table
    table = jax.random.normal(k2, (VOCAB, VOCAB), dtype=jnp.float32) * 0.02
    return {"X": X, "table": table}

def reference(X, table):
    # BigramLanguageModel.forward with y=None: logits = embedding_table(X); loss = None
    logits = jnp.take(table, X, axis=0)  # [B, T, VOCAB]
    return logits

if __name__ == "__main__":
    import jax
    _d = setup_inputs()
    print(jax.jit(kernel)(*tuple(_d.values())))

</pallas_src>

<mosaic_0001>
#map = affine_map<(d0, d1) -> (0, 0)>
#map1 = affine_map<(d0, d1) -> (0, 0, 0)>
module attributes {stable_mosaic.version = 14 : i64} {
  func.func @k(%arg0: i32, %arg1: i32, %arg2: memref<8192x8192xf32, #tpu.memory_space<hbm>>, %arg3: memref<32x128x4xi32, #tpu.memory_space<hbm>>, %arg4: memref<16384x8192xf32, #tpu.memory_space<hbm>>, %arg5: memref<128x4xi32, #tpu.memory_space<vmem>>, %arg6: memref<4x8192xf32, #tpu.memory_space<vmem>>, %arg7: memref<4x8192xf32, #tpu.memory_space<vmem>>, %arg8: memref<!tpu.dma_semaphore, #tpu.memory_space<semaphore_mem>>, %arg9: memref<!tpu.dma_semaphore, #tpu.memory_space<semaphore_mem>>, %arg10: memref<!tpu.dma_semaphore, #tpu.memory_space<semaphore_mem>>, %arg11: memref<!tpu.dma_semaphore, #tpu.memory_space<semaphore_mem>>) attributes {dimension_semantics = [#tpu.dimension_semantics<core_parallel>, #tpu.dimension_semantics<subcore_parallel>], iteration_bounds = array<i64: 2, 16>, scalar_prefetch = 0 : i64, scratch_operands = 7 : i64, tpu.core_type = #tpu.core_type<sc_vector_subcore>, window_params = [{transform_indices = #map}, {transform_indices = #map1}, {transform_indices = #map}]} {
    %mul3A = arith.constant 2 : i32
    %mul3A_0 = arith.muli %arg1, %mul3A : i32
    %add3A = arith.addi %mul3A_0, %arg0 : i32
    %mul3A_1 = arith.constant 512 : i32
    %mul3A_2 = arith.muli %add3A, %mul3A_1 : i32
    "tpu.region"() ({
      %run_scoped3A = tpu.sem_alloc : memref<!tpu.dma_semaphore, #tpu.memory_space<semaphore_mem>>
      %dma_start3A_18 = arith.constant 0 : i32
      %dma_start3A_19 = arith.constant 0 : i32
      %dma_start3A_20 = tpu.memref_slice %arg3[%add3A, %dma_start3A_18, %dma_start3A_19] : memref<32x128x4xi32, #tpu.memory_space<hbm>> -> memref<1x128x4xi32, #tpu.memory_space<hbm>>
      %dma_start3A_21 = tpu.memref_squeeze %dma_start3A_20 : memref<1x128x4xi32, #tpu.memory_space<hbm>> -> memref<128x4xi32, #tpu.memory_space<hbm>>
      %dma_start3A_22 = arith.constant 0 : i32
      %dma_start3A_23 = arith.constant 0 : i32
      %dma_start3A_24 = tpu.memref_slice %arg3[%add3A, %dma_start3A_22, %dma_start3A_23] : memref<32x128x4xi32, #tpu.memory_space<hbm>> -> memref<1x128x4xi32, #tpu.memory_space<hbm>>
      %dma_start3A_25 = tpu.memref_squeeze %dma_start3A_24 : memref<1x128x4xi32, #tpu.memory_space<hbm>> -> memref<128x4xi32, #tpu.memory_space<hbm>>
      tpu.enqueue_dma source(%dma_start3A_25 : memref<128x4xi32, #tpu.memory_space<hbm>>) target(%arg5 : memref<128x4xi32, #tpu.memory_space<vmem>>) target_semaphore(%run_scoped3A : memref<!tpu.dma_semaphore, #tpu.memory_space<semaphore_mem>>)
      %dma_wait3A_26 = arith.constant 0 : i32
      %dma_wait3A_27 = arith.constant 0 : i32
      %dma_wait3A_28 = tpu.memref_slice %arg3[%add3A, %dma_wait3A_26, %dma_wait3A_27] : memref<32x128x4xi32, #tpu.memory_space<hbm>> -> memref<1x128x4xi32, #tpu.memory_space<hbm>>
      %dma_wait3A_29 = tpu.memref_squeeze %dma_wait3A_28 : memref<1x128x4xi32, #tpu.memory_space<hbm>> -> memref<128x4xi32, #tpu.memory_space<hbm>>
      %dma_wait3A_30 = arith.constant 0 : i32
      %dma_wait3A_31 = arith.constant 0 : i32
      %dma_wait3A_32 = tpu.memref_slice %arg3[%add3A, %dma_wait3A_30, %dma_wait3A_31] : memref<32x128x4xi32, #tpu.memory_space<hbm>> -> memref<1x128x4xi32, #tpu.memory_space<hbm>>
      %dma_wait3A_33 = tpu.memref_squeeze %dma_wait3A_32 : memref<1x128x4xi32, #tpu.memory_space<hbm>> -> memref<128x4xi32, #tpu.memory_space<hbm>>
      tpu.wait_dma2 semaphore(%run_scoped3A : memref<!tpu.dma_semaphore, #tpu.memory_space<semaphore_mem>>) src(%dma_wait3A_33 : memref<128x4xi32, #tpu.memory_space<hbm>>) dst(%arg5 : memref<128x4xi32, #tpu.memory_space<vmem>>)
      tpu.yield
    }) : () -> ()
    %dma_start3A = arith.constant 0 : i32
    %dma_start3A_3 = arith.constant 0 : i32
    %dma_start3A_4 = tpu.memref_slice %arg5[%dma_start3A, %dma_start3A_3] : memref<128x4xi32, #tpu.memory_space<vmem>> -> memref<1x4xi32, #tpu.memory_space<vmem>>
    %dma_start3A_5 = tpu.memref_squeeze %dma_start3A_4 : memref<1x4xi32, #tpu.memory_space<vmem>> -> memref<4xi32, #tpu.memory_space<vmem>>
    %dma_start3A_6 = arith.constant 0 : i32
    %dma_start3A_7 = arith.constant 0 : i32
    %dma_start3A_8 = tpu.memref_slice %arg2[%dma_start3A_6, %dma_start3A_7] : memref<8192x8192xf32, #tpu.memory_space<hbm>> -> memref<8192x8192xf32, #tpu.memory_space<hbm>>
    tpu.enqueue_indirect_dma source(%dma_start3A_8 : memref<8192x8192xf32, #tpu.memory_space<hbm>>) target(%arg6 : memref<4x8192xf32, #tpu.memory_space<vmem>>) offsets(%dma_start3A_5 : memref<4xi32, #tpu.memory_space<vmem>>) semaphore(%arg8 : memref<!tpu.dma_semaphore, #tpu.memory_space<semaphore_mem>>)
    %scan3A = arith.constant 0 : i32
    %scan3A_9 = arith.constant 64 : i32
    %scan3A_10 = arith.addi %scan3A, %scan3A_9 : i32
    %scan3A_11 = arith.constant 1 : i32
    scf.for %scan3A_18 = %scan3A to %scan3A_10 step %scan3A_11  : i32 {
      %mul3A_19 = arith.constant 2 : i32
      %mul3A_20 = arith.muli %scan3A_18, %mul3A_19 : i32
      %add3A_21 = arith.constant 0 : i32
      %add3A_22 = arith.addi %add3A_21, %mul3A_20 : i32
      %add3A_23 = arith.constant 0 : i32
      %add3A_24 = arith.addi %add3A_22, %add3A_23 : i32
      %dma_wait3A_25 = arith.constant 0 : i32
      %dma_wait3A_26 = tpu.memref_slice %arg5[%add3A_24, %dma_wait3A_25] : memref<128x4xi32, #tpu.memory_space<vmem>> -> memref<1x4xi32, #tpu.memory_space<vmem>>
      %dma_wait3A_27 = tpu.memref_squeeze %dma_wait3A_26 : memref<1x4xi32, #tpu.memory_space<vmem>> -> memref<4xi32, #tpu.memory_space<vmem>>
      %dma_wait3A_28 = arith.constant 0 : i32
      %dma_wait3A_29 = arith.constant 0 : i32
      %dma_wait3A_30 = tpu.memref_slice %arg2[%dma_wait3A_28, %dma_wait3A_29] : memref<8192x8192xf32, #tpu.memory_space<hbm>> -> memref<8192x8192xf32, #tpu.memory_space<hbm>>
      tpu.wait_indirect_dma semaphore(%arg8 : memref<!tpu.dma_semaphore, #tpu.memory_space<semaphore_mem>>) src(%dma_wait3A_30 : memref<8192x8192xf32, #tpu.memory_space<hbm>>) dst(%arg6 : memref<4x8192xf32, #tpu.memory_space<vmem>>)
      %add3A_31 = arith.constant 1 : i32
      %add3A_32 = arith.addi %add3A_24, %add3A_31 : i32
      %ge3A = arith.constant 2 : i32
      %ge3A_33 = arith.cmpi sge, %add3A_32, %ge3A : i32
      %convert_element_type3A = arith.extui %ge3A_33 : i1 to i32
      %cond3A = arith.constant 0 : i32
      %cond3A_34 = arith.cmpi ne, %convert_element_type3A, %cond3A : i32
      scf.if %cond3A_34 {
        %add3A_77 = arith.constant 1 : i32
        %add3A_78 = arith.addi %add3A_24, %add3A_77 : i32
        %sub3A = arith.constant 2 : i32
        %sub3A_79 = arith.subi %add3A_78, %sub3A : i32
        %mul3A_80 = arith.constant 4 : i32
        %mul3A_81 = arith.muli %sub3A_79, %mul3A_80 : i32
        %add3A_82 = arith.addi %mul3A_2, %mul3A_81 : i32
        %dma_wait3A_83 = arith.constant 0 : i32
        %dma_wait3A_84 = tpu.memref_slice %arg4[%add3A_82, %dma_wait3A_83] : memref<16384x8192xf32, #tpu.memory_space<hbm>> -> memref<4x8192xf32, #tpu.memory_space<hbm>>
        %dma_wait3A_85 = arith.constant 0 : i32
        %dma_wait3A_86 = tpu.memref_slice %arg4[%add3A_82, %dma_wait3A_85] : memref<16384x8192xf32, #tpu.memory_space<hbm>> -> memref<4x8192xf32, #tpu.memory_space<hbm>>
        tpu.wait_dma2 semaphore(%arg11 : memref<!tpu.dma_semaphore, #tpu.memory_space<semaphore_mem>>) src(%arg7 : memref<4x8192xf32, #tpu.memory_space<vmem>>) dst(%dma_wait3A_86 : memref<4x8192xf32, #tpu.memory_space<hbm>>)
      } else {
      }
      %add3A_35 = arith.constant 1 : i32
      %add3A_36 = arith.addi %add3A_24, %add3A_35 : i32
      %lt3A = arith.constant 128 : i32
      %lt3A_37 = arith.cmpi slt, %add3A_36, %lt3A : i32
      %convert_element_type3A_38 = arith.extui %lt3A_37 : i1 to i32
      %cond3A_39 = arith.constant 0 : i32
      %cond3A_40 = arith.cmpi ne, %convert_element_type3A_38, %cond3A_39 : i32
      scf.if %cond3A_40 {
        %add3A_77 = arith.constant 1 : i32
        %add3A_78 = arith.addi %add3A_24, %add3A_77 : i32
        %dma_start3A_79 = arith.constant 0 : i32
        %dma_start3A_80 = tpu.memref_slice %arg5[%add3A_78, %dma_start3A_79] : memref<128x4xi32, #tpu.memory_space<vmem>> -> memref<1x4xi32, #tpu.memory_space<vmem>>
        %dma_start3A_81 = tpu.memref_squeeze %dma_start3A_80 : memref<1x4xi32, #tpu.memory_space<vmem>> -> memref<4xi32, #tpu.memory_space<vmem>>
        %dma_start3A_82 = arith.constant 0 : i32
        %dma_start3A_83 = arith.constant 0 : i32
        %dma_start3A_84 = tpu.memref_slice %arg2[%dma_start3A_82, %dma_start3A_83] : memref<8192x8192xf32, #tpu.memory_space<hbm>> -> memref<8192x8192xf32, #tpu.memory_space<hbm>>
        tpu.enqueue_indirect_dma source(%dma_start3A_84 : memref<8192x8192xf32, #tpu.memory_space<hbm>>) target(%arg7 : memref<4x8192xf32, #tpu.memory_space<vmem>>) offsets(%dma_start3A_81 : memref<4xi32, #tpu.memory_space<vmem>>) semaphore(%arg9 : memref<!tpu.dma_semaphore, #tpu.memory_space<semaphore_mem>>)
      } else {
      }
      %mul3A_41 = arith.constant 4 : i32
      %mul3A_42 = arith.muli %add3A_24, %mul3A_41 : i32
      %add3A_43 = arith.addi %mul3A_2, %mul3A_42 : i32
      %dma_start3A_44 = arith.constant 0 : i32
      %dma_start3A_45 = tpu.memref_slice %arg4[%add3A_43, %dma_start3A_44] : memref<16384x8192xf32, #tpu.memory_space<hbm>> -> memref<4x8192xf32, #tpu.memory_space<hbm>>
      %dma_start3A_46 = arith.constant 0 : i32
      %dma_start3A_47 = tpu.memref_slice %arg4[%add3A_43, %dma_start3A_46] : memref<16384x8192xf32, #tpu.memory_space<hbm>> -> memref<4x8192xf32, #tpu.memory_space<hbm>>
      tpu.enqueue_dma source(%arg6 : memref<4x8192xf32, #tpu.memory_space<vmem>>) target(%dma_start3A_47 : memref<4x8192xf32, #tpu.memory_space<hbm>>) target_semaphore(%arg10 : memref<!tpu.dma_semaphore, #tpu.memory_space<semaphore_mem>>)
      %add3A_48 = arith.constant 1 : i32
      %add3A_49 = arith.addi %add3A_22, %add3A_48 : i32
      %dma_wait3A_50 = arith.constant 0 : i32
      %dma_wait3A_51 = tpu.memref_slice %arg5[%add3A_49, %dma_wait3A_50] : memref<128x4xi32, #tpu.memory_space<vmem>> -> memref<1x4xi32, #tpu.memory_space<vmem>>
      %dma_wait3A_52 = tpu.memref_squeeze %dma_wait3A_51 : memref<1x4xi32, #tpu.memory_space<vmem>> -> memref<4xi32, #tpu.memory_space<vmem>>
      %dma_wait3A_53 = arith.constant 0 : i32
      %dma_wait3A_54 = arith.constant 0 : i32
      %dma_wait3A_55 = tpu.memref_slice %arg2[%dma_wait3A_53, %dma_wait3A_54] : memref<8192x8192xf32, #tpu.memory_space<hbm>> -> memref<8192x8192xf32, #tpu.memory_space<hbm>>
      tpu.wait_indirect_dma semaphore(%arg9 : memref<!tpu.dma_semaphore, #tpu.memory_space<semaphore_mem>>) src(%dma_wait3A_55 : memref<8192x8192xf32, #tpu.memory_space<hbm>>) dst(%arg7 : memref<4x8192xf32, #tpu.memory_space<vmem>>)
      %add3A_56 = arith.constant 1 : i32
      %add3A_57 = arith.addi %add3A_49, %add3A_56 : i32
      %ge3A_58 = arith.constant 2 : i32
      %ge3A_59 = arith.cmpi sge, %add3A_57, %ge3A_58 : i32
      %convert_element_type3A_60 = arith.extui %ge3A_59 : i1 to i32
      %cond3A_61 = arith.constant 0 : i32
      %cond3A_62 = arith.cmpi ne, %convert_element_type3A_60, %cond3A_61 : i32
      scf.if %cond3A_62 {
        %add3A_77 = arith.constant 1 : i32
        %add3A_78 = arith.addi %add3A_49, %add3A_77 : i32
        %sub3A = arith.constant 2 : i32
        %sub3A_79 = arith.subi %add3A_78, %sub3A : i32
        %mul3A_80 = arith.constant 4 : i32
        %mul3A_81 = arith.muli %sub3A_79, %mul3A_80 : i32
        %add3A_82 = arith.addi %mul3A_2, %mul3A_81 : i32
        %dma_wait3A_83 = arith.constant 0 : i32
        %dma_wait3A_84 = tpu.memref_slice %arg4[%add3A_82, %dma_wait3A_83] : memref<16384x8192xf32, #tpu.memory_space<hbm>> -> memref<4x8192xf32, #tpu.memory_space<hbm>>
        %dma_wait3A_85 = arith.constant 0 : i32
        %dma_wait3A_86 = tpu.memref_slice %arg4[%add3A_82, %dma_wait3A_85] : memref<16384x8192xf32, #tpu.memory_space<hbm>> -> memref<4x8192xf32, #tpu.memory_space<hbm>>
        tpu.wait_dma2 semaphore(%arg10 : memref<!tpu.dma_semaphore, #tpu.memory_space<semaphore_mem>>) src(%arg6 : memref<4x8192xf32, #tpu.memory_space<vmem>>) dst(%dma_wait3A_86 : memref<4x8192xf32, #tpu.memory_space<hbm>>)
      } else {
      }
      %add3A_63 = arith.constant 1 : i32
      %add3A_64 = arith.addi %add3A_49, %add3A_63 : i32
      %lt3A_65 = arith.constant 128 : i32
      %lt3A_66 = arith.cmpi slt, %add3A_64, %lt3A_65 : i32
      %convert_element_type3A_67 = arith.extui %lt3A_66 : i1 to i32
      %cond3A_68 = arith.constant 0 : i32
      %cond3A_69 = arith.cmpi ne, %convert_element_type3A_67, %cond3A_68 : i32
      scf.if %cond3A_69 {
        %add3A_77 = arith.constant 1 : i32
        %add3A_78 = arith.addi %add3A_49, %add3A_77 : i32
        %dma_start3A_79 = arith.constant 0 : i32
        %dma_start3A_80 = tpu.memref_slice %arg5[%add3A_78, %dma_start3A_79] : memref<128x4xi32, #tpu.memory_space<vmem>> -> memref<1x4xi32, #tpu.memory_space<vmem>>
        %dma_start3A_81 = tpu.memref_squeeze %dma_start3A_80 : memref<1x4xi32, #tpu.memory_space<vmem>> -> memref<4xi32, #tpu.memory_space<vmem>>
        %dma_start3A_82 = arith.constant 0 : i32
        %dma_start3A_83 = arith.constant 0 : i32
        %dma_start3A_84 = tpu.memref_slice %arg2[%dma_start3A_82, %dma_start3A_83] : memref<8192x8192xf32, #tpu.memory_space<hbm>> -> memref<8192x8192xf32, #tpu.memory_space<hbm>>
        tpu.enqueue_indirect_dma source(%dma_start3A_84 : memref<8192x8192xf32, #tpu.memory_space<hbm>>) target(%arg6 : memref<4x8192xf32, #tpu.memory_space<vmem>>) offsets(%dma_start3A_81 : memref<4xi32, #tpu.memory_space<vmem>>) semaphore(%arg8 : memref<!tpu.dma_semaphore, #tpu.memory_space<semaphore_mem>>)
      } else {
      }
      %mul3A_70 = arith.constant 4 : i32
      %mul3A_71 = arith.muli %add3A_49, %mul3A_70 : i32
      %add3A_72 = arith.addi %mul3A_2, %mul3A_71 : i32
      %dma_start3A_73 = arith.constant 0 : i32
      %dma_start3A_74 = tpu.memref_slice %arg4[%add3A_72, %dma_start3A_73] : memref<16384x8192xf32, #tpu.memory_space<hbm>> -> memref<4x8192xf32, #tpu.memory_space<hbm>>
      %dma_start3A_75 = arith.constant 0 : i32
      %dma_start3A_76 = tpu.memref_slice %arg4[%add3A_72, %dma_start3A_75] : memref<16384x8192xf32, #tpu.memory_space<hbm>> -> memref<4x8192xf32, #tpu.memory_space<hbm>>
      tpu.enqueue_dma source(%arg7 : memref<4x8192xf32, #tpu.memory_space<vmem>>) target(%dma_start3A_76 : memref<4x8192xf32, #tpu.memory_space<hbm>>) target_semaphore(%arg11 : memref<!tpu.dma_semaphore, #tpu.memory_space<semaphore_mem>>)
    }
    %scan3A_12 = arith.constant 64 : i32
    %add3A_13 = arith.constant 508 : i32
    %add3A_14 = arith.addi %mul3A_2, %add3A_13 : i32
    %dma_wait3A = arith.constant 0 : i32
    %dma_wait3A_15 = tpu.memref_slice %arg4[%add3A_14, %dma_wait3A] : memref<16384x8192xf32, #tpu.memory_space<hbm>> -> memref<4x8192xf32, #tpu.memory_space<hbm>>
    %dma_wait3A_16 = arith.constant 0 : i32
    %dma_wait3A_17 = tpu.memref_slice %arg4[%add3A_14, %dma_wait3A_16] : memref<16384x8192xf32, #tpu.memory_space<hbm>> -> memref<4x8192xf32, #tpu.memory_space<hbm>>
    tpu.wait_dma2 semaphore(%arg11 : memref<!tpu.dma_semaphore, #tpu.memory_space<semaphore_mem>>) src(%arg7 : memref<4x8192xf32, #tpu.memory_space<vmem>>) dst(%dma_wait3A_17 : memref<4x8192xf32, #tpu.memory_space<hbm>>)
    return
  }
}

</mosaic_0001>

<sc_bundles>
// kernel: kernel.3.cloned.1.call-start
scs
__scs_entry_jumppad:
0x0: {  	(pc) =	sbr.rel $0x88, $3  }
0x1: {  	(tag) =	ssettag $0x0;
	lr =	simm.s32 $0x1  }
0x2: {  	[smem:$0x3F9F] =	sst lr;
	_ =	strace $0xD0000000  }
0x3: {  	_ = 	snop  }
0x4: {  	_ = 	snop  }
0x5: {  	_ = 	snop  }
0x6: {  	_ = 	snop  }
0x7: {  	_ = 	snop  }
__scs_overlays_trampoline_lowered:
0x8: {  	[smem:$0x3FAE] =	sst s0  }
0x9: {  	[smem:$0x3FAF] =	sst s1  }
0xa: {  	[smem:$0x3FB0] =	sst s2  }
0xb: {  	[smem:$0x3FB1] =	sst s3  }
0xc: {  	[smem:$0x3FB2] =	sst s4  }
0xd: {  	[smem:$0x3FB3] =	sst s5  }
0xe: {  	[smem:$0x3FB4] =	sst s6  }
0xf: {  	[smem:$0x3FB5] =	sst s7  }
0x10: {  	[smem:$0x3FB6] =	sst s8  }
0x11: {  	[smem:$0x3FB7] =	sst s9;
	s0 =	simm.s32 @!p0 $0x0  }
0x12: {  	s1 =	sld [smem:$0x3F9D];
	s0 =	simm.s32 @p0 $0x1  }
0x13: {  	[smem:$0x3FB8] =	sst s0;
	s0 =	simm.s32 @!p1 $0x0  }
0x14: {  	s2 =	sld [smem:$0x3F9C];
	s0 =	simm.s32 @p1 $0x1  }
0x15: {  	[smem:$0x3FB9] =	sst s0;
	s0 =	simm.s32 @!p2 $0x0  }
0x16: {  	s3 =	sld [smem:$0x3FDB];
	s0 =	simm.s32 @p2 $0x1  }
0x17: {  	s4 =	simm.s32 $0x1BF5;
	[smem:$0x3FBB] =	sst s0  }
0x18: {  	s0 =	sld [smem:$0x3F9E];
	_ =	swait.ge [sflag:s4], $0x0  }
0x19: {  	s7 =	sld [smem:$0x3F9F]  }
0x1a: {  	s8 =	sadd.s32 $0xFFFFE003, lr  }
0x1b: {  	s9 =	sadd.s32 $0xFFFFFEF7, lr;
	s5 =	simm.s32 $0xFFFFFFFF;
	p2 =	slt.u32 s8, $0xFFFFF086  }
0x1c: {  	p1 =	slt.u32 s9, $0xF7A;
	s5 =	simm.s32 @!p2 $0x0  }
0x1d: {  	s5 =	simm.s32 @p1 $0x1;
	p0 =	seq.s32 s7, s2  }
0x1e: {  	s7 =	smul.u32 @!p0 $0xF7A, s2;
	p2 =	seq.s32 @!p0 s5, $0x0  }
0x1f: {  	s9 =	smul.u32 $0xF7A, s1;
	s8 =	simm.s32 @!p0 $0x1BF5;
	p2 =	por !p2, p0  }
0x20: {  	[sflag:s8] =	ssyncset.s32 @!p0 $0xFFFFF086;
	s6 =	sadd.s32 @!p0 s3, s7;
	s7 =	simm.s32 @!p0 $0x108  }
0x21: {  	s3 =	sadd.s32 s3, s9;
	s6 =	sadd.s32 @!p0 $0x88, s6;
	s7 =	simm.s32 @p2 $0x1082  }
0x22: {  	[simem:s7], [sflag:s8] =	dma.local @!p0 [hbm:s6], $0xF7A  }
0x23: {  	s9 =	sor.u32 $0xD0000000, s2;
	s6 =	simm.s32 $0x108;
	_ =	swait.ge @!p0 [sflag:s8], $0x0  }
0x24: {  	s3 =	sadd.s32 $0x88, s3;
	s6 =	simm.s32 @!p1 $0x1082;
	[sflag:s4] =	ssyncset.s32 $0xFFFFF086  }
0x25: {  	[simem:s6], [sflag:s4] =	dma.local [hbm:s3], $0xF7A  }
0x26: {  	[smem:$0x3F9F] =	sst s1;
	(tag) =	ssettag s2;
	_ =	strace s9  }
0x27: {  	s1 =	sld [smem:$0x3FAF]  }
0x28: {  	s2 =	sld [smem:$0x3FB0]  }
0x29: {  	s4 =	sld [smem:$0x3FB2]  }
0x2a: {  	p0 =	seq.s32 s5, $0x0;
	s5 =	sld [smem:$0x3FB3]  }
0x2b: {  	s6 =	sld [smem:$0x3FB4]  }
0x2c: {  	s7 =	sld [smem:$0x3FB5]  }
0x2d: {  	s3 =	simm.s32 $0x108;
	s8 =	sld [smem:$0x3FB6]  }
0x2e: {  	s3 =	simm.s32 @!p0 $0x1082;
	s9 =	sld [smem:$0x3FB7]  }
0x2f: {  	lr =	sadd.s32 s0, s3;
	s0 =	sld [smem:$0x3FAE]  }
0x30: {  	s3 =	sld [smem:$0x3FB1]  }
0x31: {  	[smem:$0x3FBA] =	sst s10  }
0x32: {  	s10 =	sld [smem:$0x3FB8];
	_ =	sdelay $0x3  }
0x33: {  	p0 =	seq.s32 s10, $0x1;
	s10 =	sld [smem:$0x3FBA];
	_ =	sdelay $0x3  }
0x34: {  	[smem:$0x3FBA] =	sst s10  }
0x35: {  	s10 =	sld [smem:$0x3FB9];
	_ =	sdelay $0x3  }
0x36: {  	p1 =	seq.s32 s10, $0x1;
	s10 =	sld [smem:$0x3FBA];
	_ =	sdelay $0x3  }
0x37: {  	[smem:$0x3FBA] =	sst s10  }
0x38: {  	s10 =	sld [smem:$0x3FBB]  }
0x39: {  	_ = 	snop;
	(pc) =	sbr.ind lr, $3  }
0x3a: {  	_ = 	snop  }
0x3b: {  	_ = 	snop  }
0x3c: {  	p2 =	seq.s32 s10, $0x1;
	s10 =	sld [smem:$0x3FBA]  }
0x3d: {  	_ =	shalt  }
0x3e: {  	_ =	shalt  }
0x3f: {  	_ =	shalt  }
0x40: {  	_ =	shalt  }
0x41: {  	_ =	shalt  }
0x42: {  	_ =	shalt  }
0x43: {  	_ =	shalt  }
0x44: {  	_ =	shalt  }
0x45: {  	_ =	shalt  }
0x46: {  	_ =	shalt  }
0x47: {  	_ =	shalt  }
0x48: {  	_ =	shalt  }
0x49: {  	_ =	shalt  }
0x4a: {  	_ =	shalt  }
0x4b: {  	_ =	shalt  }
0x4c: {  	_ =	shalt  }
0x4d: {  	_ =	shalt  }
0x4e: {  	_ =	shalt  }
0x4f: {  	_ =	shalt  }
0x50: {  	_ =	shalt  }
0x51: {  	_ =	shalt  }
0x52: {  	_ =	shalt  }
0x53: {  	_ =	shalt  }
0x54: {  	_ =	shalt  }
0x55: {  	_ =	shalt  }
0x56: {  	_ =	shalt  }
0x57: {  	_ =	shalt  }
0x58: {  	_ =	shalt  }
0x59: {  	_ =	shalt  }
0x5a: {  	_ =	shalt  }
0x5b: {  	_ =	shalt  }
0x5c: {  	_ =	shalt  }
0x5d: {  	_ =	shalt  }
0x5e: {  	_ =	shalt  }
0x5f: {  	_ =	shalt  }
0x60: {  	_ =	shalt  }
0x61: {  	_ =	shalt  }
0x62: {  	_ =	shalt  }
0x63: {  	_ =	shalt  }
0x64: {  	_ =	shalt  }
0x65: {  	_ =	shalt  }
0x66: {  	_ =	shalt  }
0x67: {  	_ =	shalt  }
0x68: {  	_ =	shalt  }
0x69: {  	_ =	shalt  }
0x6a: {  	_ =	shalt  }
0x6b: {  	_ =	shalt  }
0x6c: {  	_ =	shalt  }
0x6d: {  	_ =	shalt  }
0x6e: {  	_ =	shalt  }
0x6f: {  	_ =	shalt  }
0x70: {  	_ =	shalt  }
0x71: {  	_ =	shalt  }
0x72: {  	_ =	shalt  }
0x73: {  	_ =	shalt  }
0x74: {  	_ =	shalt  }
0x75: {  	_ =	shalt  }
0x76: {  	_ =	shalt  }
0x77: {  	_ =	shalt  }
0x78: {  	_ =	shalt  }
0x79: {  	_ =	shalt  }
0x7a: {  	_ =	shalt  }
0x7b: {  	_ =	shalt  }
0x7c: {  	_ =	shalt  }
0x7d: {  	_ =	shalt  }
0x7e: {  	_ =	shalt  }
0x7f: {  	_ =	shalt  }
0x80: {  	_ =	shalt  }
0x81: {  	_ =	shalt  }
0x82: {  	_ =	shalt  }
0x83: {  	_ =	shalt  }
0x84: {  	_ =	shalt  }
0x85: {  	_ =	shalt  }
0x86: {  	_ =	shalt  }
0x87: {  	_ =	shalt  }
.Lfunc_end0:
.L_simem_size_0:
called_computation_lowered:
.L_overlay_start_0:
0x88: {  	s2 =	sld [smem:$0x3FD9]  }
0x89: {  	s3 =	sld [smem:$0x3FFE];
	_ =	sdelay $0x1  }
0x8a: {  	s1 =	srdreg.scid  }
0x8b: {  	s0 =	sand.u32 $0x1, s1  }
0x8c: {  	s17 =	sshll.u32 s0, $0xA;
	s2 =	sadd.s32 s3, s2  }
0x8d: {  	s2 =	sadd.s32 s2, s17  }
0x8e: {  	[smem:$0x3FC6] =	sst s2  }
0x8f: {  	_ = 	snop  }
0x90: {  	s2 =	sld [smem:$0x3FC8]  }
0x91: {  	s18 =	sld [smem:$0x3FD0];
	(tm) =	ssettm $0x1  }
0x92: {  	s4 =	sld [smem:$0x3FFB];
	_ =	sdelay $0x3  }
0x93: {  	_ =	strace s4  }
0x94: {  	s4 =	sld [smem:$0x3FFC];
	_ =	sdelay $0x3  }
0x95: {  	_ =	strace s4  }
0x96: {  	s4 =	sld [smem:$0x3FFD];
	_ =	sdelay $0x3  }
0x97: {  	_ =	strace s4  }
0x98: {  	_ =	strace $0x8FFFFFFF  }
0x99: {  	s19 =	sld [smem:$0x3FDB];
	_ =	sdelay $0x1  }
0x9a: {  	s5 =	simm.s32 $_scs_section_size  }
0x9b: {  	s6 =	simm.s32 $_size__tile_overlayer_lowered;
	s7 =	simm.s32 $_tile_overlayer_lowered  }
0x9c: {  	s22 =	simm.s32 $0x1BFF;
	s21 =	sshll.u32 s7, $0x1;
	s4 =	sadd.s32 s5, s19  }
0x9d: {  	s8 =	simm.s32 $0x0;
	s20 =	sshll.u32 s6, $0x1;
	s6 =	sadd.s32 s21, s4  }
0x9e: {  	[timem:s8], [sflag:s22] =	dma.local [hbm:s6], s20  }
0x9f: {  	_ =	swait.ge [sflag:s22], s20  }
0xa0: {  	s5 =	ssub.s32 $0x0, s20;
	[sflag:s22] =	ssyncset.done $0x0  }
0xa1: {  	[sflag:s22] =	ssyncadd.s32 s5;
	_ =	sdelay $0x1  }
0xa2: {  	s23 =	simm.s32 $0x1B8B  }
0xa3: {  	_ =	swait.ge [sflag:s23], $0x1  }
0xa4: {  	[sflag:s23] =	ssyncset.done $0x0  }
0xa5: {  	s25 =	simm.s32 $0x1B8E;
	s24 =	sld [smem:$0x3FFE];
	[sflag:s23] =	ssyncadd.s32 $0xFFFFFFFF  }
0xa6: {  	s26 =	simm.s32 $execute0_lowered;
	[smem:$0x3FD2] =	sst s25  }
0xa7: {  	s6 =	sshll.u32 s26, $0x1;
	_ =	strace $0x80000046;
	[dreg:$0x1] =	wrdreg $0xFFFFFFFF  }
0xa8: {  	s28 =	simm.s32 $_size_execute0_lowered;
	s4 =	sadd.s32 s4, s6;
	[dreg:$0x0] =	wrdreg $0x0  }
0xa9: {  	s6 =	sshll.u32 s28, $0x1;
	[dreg:$0x2] =	wrdreg s4  }
0xaa: {  	[dreg:$0x3] =	wrdreg s6  }
0xab: {  	[dreg:$0x4] =	wrdreg $0xC0  }
0xac: {  	_ =	task [dreg:s8], $0x5FFFF  }
0xad: {  	[dreg:$0x1] =	wrdreg $0xFFFFFFFF  }
0xae: {  	[dreg:$0x0] =	wrdreg $0x60  }
0xaf: {  	[dreg:$0x2] =	wrdreg s2  }
0xb0: {  	[dreg:$0x3] =	wrdreg s24  }
0xb1: {  	[dreg:$0x4] =	wrdreg s18  }
0xb2: {  	[dreg:$0x5] =	wrdreg $0x9  }
0xb3: {  	_ =	task.clear_ibuf [dreg:s8], $0x6FFFF;
	_ =	strace $0x90000046  }
0xb4: {  	s29 =	simm.s32 $0x9;
	_ =	strace $0x80000048  }
0xb5: {  	_ =	swait.ge [sflag:s29], $0x1  }
0xb6: {  	[sflag:s29] =	ssyncadd.s32 $0xFFFFFFFF  }
0xb7: {  	_ =	strace $0x90000048  }
0xb8: {  	_ =	sfence  }
0xb9: {  	s30 =	sld [smem:$0x0];
	_ =	sdelay $0x2  }
0xba: {  	s31 =	sshll.u32 s1, $0xD;
	s1 =	sshrl.u32 s1, $0x2  }
0xbb: {  	s3 =	sand.u32 $0x4000, s31;
	s1 =	sadd.s32 s1, s30  }
0xbc: {  	s0 =	sor.u32 s3, s0;
	s1 =	sshll.u32 s1, $0x11  }
0xbd: {  	s0 =	sor.u32 s1, s0  }
0xbe: {  	s0 =	sadd.s32 $0x8F2B, s0  }
0xbf: {  	[sflag:s0] =	ssyncadd.remote.s32 $0x1  }
0xc0: {  	_ =	sfence.sel $0xFFFF  }
0xc1: {  	[dreg:$0x0] =	wrdreg $0xFFFFFFFF;
	(pc) =	sbr.abs _section_cstart, $3  }
0xc2: {  	[dreg:$0x1] =	wrdreg $0xFFFFFFFF  }
0xc3: {  	_ =	task.clear_ibuf [dreg:s8], $0x2FFFF;
	_ =	strace $0x9FFFFFFF  }
0xc4: {  	(tm) =	ssettm $0x7FFFFFFF  }
0xc5: {  	_ =	shalt  }
tec
execute0_lowered:
.L_overlay_start_1:
0x0: {  	(tag) =	ssettag $0x1  }
0x1: {  	s1 =	rddreg [dreg:$0x0]  }
0x2: {  	s0 =	rddreg [dreg:$0x1]  }
0x3: {  	s2 =	rddreg [dreg:$0x2];
	s3 =	srdreg.scid  }
0x4: {  	s7 =	stileid.u32;
	s11 =	simm.s32 $0xC800;
	s12 =	simm.s32 $0xD000  }
0x5: {  	s13 =	simm.s32 $0xD800;
	s14 =	simm.s32 $0xE000;
	s15 =	simm.s32 $0xE800  }
0x6: {  	s16 =	simm.s32 $0xF000;
	s17 =	simm.s32 $0xF800;
	s18 =	simm.s32 $0x10000  }
0x7: {  	s19 =	simm.s32 $0x10800;
	s6 =	sand.u32 $0x1, s3;
	s3 =	simm.s32 $0x0  }
0x8: {  	s21 =	simm.s32 $0x11000;
	s22 =	simm.s32 $0x11800;
	[smem:$0x7FF] =	sst s3  }
0x9: {  	s23 =	simm.s32 $0x12000;
	_ =	strace $0x80000047;
	[dreg:$0x5] =	wrdreg s11  }
0xa: {  	s25 =	simm.s32 $0x12800;
	s26 =	simm.s32 $0x13000;
	[dreg:$0x6] =	wrdreg s12  }
0xb: {  	s29 =	simm.s32 $0x1;
	s30 =	simm.s32 $0xC000;
	[dreg:$0x7] =	wrdreg s13  }
0xc: {  	s31 =	simm.s32 $0x200;
	s4 =	sshll.u32 s7, $0xC;
	[dreg:$0x8] =	wrdreg s14  }
0xd: {  	s9 =	sshll.u32 s7, $0x14;
	s7 =	sadd.s32 $0x600, s1;
	[dreg:$0x9] =	wrdreg s15  }
0xe: {  	s5 =	sshll.u32 s6, $0xB;
	s28 =	ssub.s32 $0x2, s6;
	[dreg:$0xa] =	wrdreg s16  }
0xf: {  	s10 =	sshll.u32 s6, $0x13;
	s6 =	sadd.s32 $0x400, s1;
	[dreg:$0xb] =	wrdreg s17  }
0x10: {  	s4 =	sor.u32 s5, s4;
	s8 =	sshrl.u32 s28, $0x1;
	[dreg:$0xc] =	wrdreg s18  }
0x11: {  	s5 =	sadd.s32 $0x200, s1;
	s11 =	sadd.s32 $0xE00, s1;
	[dreg:$0xd] =	wrdreg s19  }
0x12: {  	s12 =	sadd.s32 $0x1000, s1;
	s13 =	sadd.s32 $0x1200, s1;
	[dreg:$0xe] =	wrdreg s21  }
0x13: {  	s14 =	sadd.s32 $0x1400, s1;
	s15 =	sadd.s32 $0x1600, s1;
	[dreg:$0xf] =	wrdreg s22  }
0x14: {  	s16 =	sadd.s32 $0x1800, s1;
	s17 =	sadd.s32 $0x1A00, s1;
	[dreg:$0x10] =	wrdreg s23  }
0x15: {  	s18 =	sadd.s32 $0x1C00, s1;
	s19 =	sadd.s32 $0x1E00, s1;
	[dreg:$0x11] =	wrdreg s25  }
0x16: {  	s22 =	simm.s32 $0x4000;
	[dreg:$0x12] =	wrdreg s26;
	s23 =	simm.s32 $0x3  }
0x17: {  	s0 =	sadd.s32 s4, s0;
	s20 =	ssub.s32 s28, s8;
	s28 =	simm.s32 $0x13800  }
0x18: {  	s25 =	simm.s32 $0x0;
	s0 =	sadd.s32 $0x400, s0;
	[dreg:$0x13] =	wrdreg s28  }
0x19: {  	s8 =	sadd.s32 $0x800, s1;
	s24 =	smax.u32 s20, $0x1;
	[dreg:$0x14] =	wrdreg s0  }
0x1a: {  	v0 =	vlaneseq.u32;
	s0 =	sadd.s32 s9, s2;
	s9 =	sadd.s32 $0xA00, s1;
	[dreg:$0x15] =	wrdreg s24  }
0x1b: {  	v1 =	vshrl.u32 v0, $0x2;
	s2 =	simm.s32 $0x2;
	s24 =	simm.s32 $0x4;
	s0 =	sadd.s32 s10, s0  }
0x1c: {  	vm0 =	vmmov $0xffff;
	v0 =	vand.u32 $0x3, v0;
	v1 =	vmul.u32 $0x8, v1;
	s10 =	sadd.s32 $0xC00, s1;
	[dreg:$0x4] =	wrdreg s0;
	s0 =	simm.s32 $0x400  }
.LBB2_1:
0x1d: {  	s4 =	rddreg [dreg:$0x14];
	s26 =	simm.s32 $0x5  }
0x1e: {  	[tilespmem:s3], [sflag:$0x5] =	stream.linear.gather [hbm4b:s4+s3], $0x4000, $0x38;
	[tilespmem:$0x14000] =	vst v63  }
0x1f: {  	_ =	swait.ge [sflag:s26], $0x4000  }
0x20: {  	[sflag:s26] =	ssyncset.done $0x0  }
0x21: {  	[sflag:s26] =	ssyncadd.s32 $0xFFFFC000  }
0x22: {  	v2 =	vld.msk [tilespmem:$0x0], $0xf;
	_ =	sdelay $0x4  }
0x23: {  	v3 =	vshll.u32 v2, $0x6  }
0x24: {  	v2 =	vand.u32 $0x7, v2;
	v3 =	vand.u32 $0xFFFFFE00, v3  }
0x25: {  	v2 =	vor.u32 v2, v3  }
0x26: {  	v2 =	vperm.xlane v2, v0;
	_ =	sdelay $0x1  }
0x27: {  	v2 =	vadd.s32 v1, v2;
	_ =	sdelay $0x4  }
0x28: {  	[tilespmem:s22], [sflag:$0x1] =	stream.indirect_vreg.gather [hbm4b:s1+s3], $0x80, v2, vm0, $0xb8;
	[tilespmem:$0x14000] =	vst v63  }
0x29: {  	s20 =	simm.s32 $0x4800  }
0x2a: {  	[tilespmem:s20], [sflag:$0x1] =	stream.indirect_vreg.gather [hbm4b:s5+s3], $0x80, v2, vm0, $0xb8;
	[tilespmem:$0x14000] =	vst v63  }
0x2b: {  	s21 =	simm.s32 $0x5000  }
0x2c: {  	[tilespmem:s21], [sflag:$0x1] =	stream.indirect_vreg.gather [hbm4b:s6+s3], $0x80, v2, vm0, $0xb8;
	[tilespmem:$0x14000] =	vst v63  }
0x2d: {  	s26 =	simm.s32 $0x5800  }
0x2e: {  	[tilespmem:s26], [sflag:$0x1] =	stream.indirect_vreg.gather [hbm4b:s7+s3], $0x80, v2, vm0, $0xb8;
	[tilespmem:$0x14000] =	vst v63  }
0x2f: {  	s20 =	simm.s32 $0x6000  }
0x30: {  	[tilespmem:s20], [sflag:$0x1] =	stream.indirect_vreg.gather [hbm4b:s8+s3], $0x80, v2, vm0, $0xb8;
	[tilespmem:$0x14000] =	vst v63  }
0x31: {  	s21 =	simm.s32 $0x6800  }
0x32: {  	[tilespmem:s21], [sflag:$0x1] =	stream.indirect_vreg.gather [hbm4b:s9+s3], $0x80, v2, vm0, $0xb8;
	[tilespmem:$0x14000] =	vst v63  }
0x33: {  	s26 =	simm.s32 $0x7000  }
0x34: {  	[tilespmem:s26], [sflag:$0x1] =	stream.indirect_vreg.gather [hbm4b:s10+s3], $0x80, v2, vm0, $0xb8;
	[tilespmem:$0x14000] =	vst v63  }
0x35: {  	s20 =	simm.s32 $0x7800  }
0x36: {  	[tilespmem:s20], [sflag:$0x1] =	stream.indirect_vreg.gather [hbm4b:s11+s3], $0x80, v2, vm0, $0xb8;
	[tilespmem:$0x14000] =	vst v63  }
0x37: {  	s21 =	simm.s32 $0x8000  }
0x38: {  	[tilespmem:s21], [sflag:$0x1] =	stream.indirect_vreg.gather [hbm4b:s12+s3], $0x80, v2, vm0, $0xb8;
	[tilespmem:$0x14000] =	vst v63  }
0x39: {  	s26 =	simm.s32 $0x8800  }
0x3a: {  	[tilespmem:s26], [sflag:$0x1] =	stream.indirect_vreg.gather [hbm4b:s13+s3], $0x80, v2, vm0, $0xb8;
	[tilespmem:$0x14000] =	vst v63  }
0x3b: {  	s20 =	simm.s32 $0x9000  }
0x3c: {  	[tilespmem:s20], [sflag:$0x1] =	stream.indirect_vreg.gather [hbm4b:s14+s3], $0x80, v2, vm0, $0xb8;
	[tilespmem:$0x14000] =	vst v63  }
0x3d: {  	s21 =	simm.s32 $0x9800  }
0x3e: {  	[tilespmem:s21], [sflag:$0x1] =	stream.indirect_vreg.gather [hbm4b:s15+s3], $0x80, v2, vm0, $0xb8;
	[tilespmem:$0x14000] =	vst v63  }
0x3f: {  	s26 =	simm.s32 $0xA000  }
0x40: {  	[tilespmem:s26], [sflag:$0x1] =	stream.indirect_vreg.gather [hbm4b:s16+s3], $0x80, v2, vm0, $0xb8;
	[tilespmem:$0x14000] =	vst v63  }
0x41: {  	s20 =	simm.s32 $0xA800  }
0x42: {  	[tilespmem:s20], [sflag:$0x1] =	stream.indirect_vreg.gather [hbm4b:s17+s3], $0x80, v2, vm0, $0xb8;
	[tilespmem:$0x14000] =	vst v63  }
0x43: {  	s21 =	simm.s32 $0xB000  }
0x44: {  	[tilespmem:s21], [sflag:$0x1] =	stream.indirect_vreg.gather [hbm4b:s18+s3], $0x80, v2, vm0, $0xb8;
	[tilespmem:$0x14000] =	vst v63  }
0x45: {  	s26 =	simm.s32 $0xB800  }
0x46: {  	[tilespmem:s26], [sflag:$0x1] =	stream.indirect_vreg.gather [hbm4b:s19+s3], $0x80, v2, vm0, $0xb8;
	[tilespmem:$0x14000] =	vst v63  }
0x47: {  	s28 =	simm.s32 $0x0;
	s26 =	simm.s32 $0x100  }
.LBB2_2:
0x48: {  	_ =	swait.ge [sflag:s29], $0x8000  }
0x49: {  	p0 =	seq.s32 s28, $0x0;
	[sflag:s29] =	ssyncset.done $0x0  }
0x4a: {  	s4 =	simm.s32 @!p0 $0x4;
	[sflag:s29] =	ssyncadd.s32 $0xFFFF8000  }
0x4b: {  	_ =	swait.ge @!p0 [sflag:s4], $0x8000  }
0x4c: {  	[sflag:s4] =	ssyncset.done @!p0 $0x0  }
0x4d: {  	[sflag:s4] =	ssyncadd.s32 @!p0 $0xFFFF8000  }
0x4e: {  	v2 =	vld.msk [tilespmem:s26+$0xFFFFFF80], $0xf;
	_ =	sdelay $0x4  }
0x4f: {  	v3 =	vshll.u32 v2, $0x6  }
0x50: {  	v2 =	vand.u32 $0x7, v2;
	v3 =	vand.u32 $0xFFFFFE00, v3  }
0x51: {  	v2 =	vor.u32 v2, v3  }
0x52: {  	v2 =	vperm.xlane v2, v0;
	_ =	sdelay $0x1  }
0x53: {  	v2 =	vadd.s32 v1, v2;
	_ =	sdelay $0x3  }
0x54: {  	s21 =	rddreg [dreg:$0x5]  }
0x55: {  	[tilespmem:s30], [sflag:$0x2] =	stream.indirect_vreg.gather [hbm4b:s1+s3], $0x80, v2, vm0, $0xb8;
	[tilespmem:$0x14000] =	vst v63  }
0x56: {  	s20 =	rddreg [dreg:$0x6]  }
0x57: {  	[tilespmem:s21], [sflag:$0x2] =	stream.indirect_vreg.gather [hbm4b:s5+s3], $0x80, v2, vm0, $0xb8;
	[tilespmem:$0x14000] =	vst v63  }
0x58: {  	s4 =	rddreg [dreg:$0x7]  }
0x59: {  	[tilespmem:s20], [sflag:$0x2] =	stream.indirect_vreg.gather [hbm4b:s6+s3], $0x80, v2, vm0, $0xb8;
	[tilespmem:$0x14000] =	vst v63  }
0x5a: {  	s21 =	rddreg [dreg:$0x8]  }
0x5b: {  	[tilespmem:s4], [sflag:$0x2] =	stream.indirect_vreg.gather [hbm4b:s7+s3], $0x80, v2, vm0, $0xb8;
	[tilespmem:$0x14000] =	vst v63  }
0x5c: {  	s20 =	rddreg [dreg:$0x13]  }
0x5d: {  	[tilespmem:s21], [sflag:$0x2] =	stream.indirect_vreg.gather [hbm4b:s8+s3], $0x80, v2, vm0, $0xb8;
	[tilespmem:$0x14000] =	vst v63  }
0x5e: {  	s4 =	rddreg [dreg:$0x9]  }
0x5f: {  	[tilespmem:s4], [sflag:$0x2] =	stream.indirect_vreg.gather [hbm4b:s9+s3], $0x80, v2, vm0, $0xb8;
	[tilespmem:$0x14000] =	vst v63  }
0x60: {  	s21 =	rddreg [dreg:$0xa]  }
0x61: {  	[tilespmem:s21], [sflag:$0x2] =	stream.indirect_vreg.gather [hbm4b:s10+s3], $0x80, v2, vm0, $0xb8;
	[tilespmem:$0x14000] =	vst v63  }
0x62: {  	s4 =	rddreg [dreg:$0xb]  }
0x63: {  	[tilespmem:s4], [sflag:$0x2] =	stream.indirect_vreg.gather [hbm4b:s11+s3], $0x80, v2, vm0, $0xb8;
	[tilespmem:$0x14000] =	vst v63  }
0x64: {  	s21 =	rddreg [dreg:$0xc]  }
0x65: {  	[tilespmem:s21], [sflag:$0x2] =	stream.indirect_vreg.gather [hbm4b:s12+s3], $0x80, v2, vm0, $0xb8;
	[tilespmem:$0x14000] =	vst v63  }
0x66: {  	s4 =	rddreg [dreg:$0xd]  }
0x67: {  	[tilespmem:s4], [sflag:$0x2] =	stream.indirect_vreg.gather [hbm4b:s13+s3], $0x80, v2, vm0, $0xb8;
	[tilespmem:$0x14000] =	vst v63  }
0x68: {  	s21 =	rddreg [dreg:$0xe]  }
0x69: {  	[tilespmem:s21], [sflag:$0x2] =	stream.indirect_vreg.gather [hbm4b:s14+s3], $0x80, v2, vm0, $0xb8;
	[tilespmem:$0x14000] =	vst v63  }
0x6a: {  	s4 =	rddreg [dreg:$0xf]  }
0x6b: {  	[tilespmem:s4], [sflag:$0x2] =	stream.indirect_vreg.gather [hbm4b:s15+s3], $0x80, v2, vm0, $0xb8;
	[tilespmem:$0x14000] =	vst v63  }
0x6c: {  	s21 =	rddreg [dreg:$0x10]  }
0x6d: {  	[tilespmem:s21], [sflag:$0x2] =	stream.indirect_vreg.gather [hbm4b:s16+s3], $0x80, v2, vm0, $0xb8;
	[tilespmem:$0x14000] =	vst v63  }
0x6e: {  	s4 =	rddreg [dreg:$0x11]  }
0x6f: {  	[tilespmem:s4], [sflag:$0x2] =	stream.indirect_vreg.gather [hbm4b:s17+s3], $0x80, v2, vm0, $0xb8;
	[tilespmem:$0x14000] =	vst v63  }
0x70: {  	s21 =	rddreg [dreg:$0x12]  }
0x71: {  	[tilespmem:s21], [sflag:$0x2] =	stream.indirect_vreg.gather [hbm4b:s18+s3], $0x80, v2, vm0, $0xb8;
	[tilespmem:$0x14000] =	vst v63  }
0x72: {  	s21 =	rddreg [dreg:$0x4]  }
0x73: {  	[tilespmem:s20], [sflag:$0x2] =	stream.indirect_vreg.gather [hbm4b:s19+s3], $0x80, v2, vm0, $0xb8;
	[tilespmem:$0x14000] =	vst v63  }
0x74: {  	s4 =	sadd.s32 s28, s21  }
0x75: {  	[hbm4b:s4+s31] =	stream.strided.scatter [tilespmem:s22], [sflag:$0x3], $0x8000, s0, s31, $0x38;
	[tilespmem:$0x14000] =	vst v63  }
0x76: {  	_ =	swait.ge [sflag:s2], $0x8000  }
0x77: {  	[sflag:s2] =	ssyncset.done $0x0  }
0x78: {  	[sflag:s2] =	ssyncadd.s32 $0xFFFF8000  }
0x79: {  	_ =	swait.ge [sflag:s23], $0x8000  }
0x7a: {  	[sflag:s23] =	ssyncset.done $0x0  }
0x7b: {  	p0 =	seq.s32 s28, $0x7E000;
	[sflag:s23] =	ssyncadd.s32 $0xFFFF8000  }
0x7c: {  	v2 =	vld.msk @!p0 [tilespmem:s26+$0x0], $0xf;
	_ =	sdelay $0x4  }
0x7d: {  	v3 =	vshll.u32 @!p0 v2, $0x6  }
0x7e: {  	v4 =	vlaneseq.u32 @!p0;
	v2 =	vand.u32 @!p0 $0x7, v2;
	v3 =	vand.u32 @!p0 $0xFFFFFE00, v3  }
0x7f: {  	v2 =	vor.u32 @!p0 v2, v3;
	v3 =	vand.u32 @!p0 $0x3, v4;
	v4 =	vshrl.u32 @!p0 v4, $0x2  }
0x80: {  	v2 =	vperm.xlane @!p0 v2, v3;
	v3 =	vmul.u32 @!p0 $0x8, v4;
	_ =	sdelay $0x1  }
0x81: {  	v2 =	vadd.s32 @!p0 v3, v2;
	_ =	sdelay $0x3  }
0x82: {  	vm1 =	vmmov @!p0 $0xffff;
	s21 =	simm.s32 @!p0 $0x4000;
	s20 =	simm.s32 @!p0 $0x0  }
0x83: {  	[tilespmem:s21], [sflag:$0x1] =	stream.indirect_vreg.gather @!p0 [hbm4b:s1+s20], $0x80, v2, vm1, $0xb8;
	[tilespmem:$0x14000] =	vst v63  }
0x84: {  	s21 =	simm.s32 @!p0 $0x4800  }
0x85: {  	[tilespmem:s21], [sflag:$0x1] =	stream.indirect_vreg.gather @!p0 [hbm4b:s5+s20], $0x80, v2, vm1, $0xb8;
	[tilespmem:$0x14000] =	vst v63  }
0x86: {  	s21 =	simm.s32 @!p0 $0x5000  }
0x87: {  	[tilespmem:s21], [sflag:$0x1] =	stream.indirect_vreg.gather @!p0 [hbm4b:s6+s20], $0x80, v2, vm1, $0xb8;
	[tilespmem:$0x14000] =	vst v63  }
0x88: {  	s21 =	simm.s32 @!p0 $0x5800  }
0x89: {  	[tilespmem:s21], [sflag:$0x1] =	stream.indirect_vreg.gather @!p0 [hbm4b:s7+s20], $0x80, v2, vm1, $0xb8;
	[tilespmem:$0x14000] =	vst v63  }
0x8a: {  	s21 =	simm.s32 @!p0 $0x6000  }
0x8b: {  	[tilespmem:s21], [sflag:$0x1] =	stream.indirect_vreg.gather @!p0 [hbm4b:s8+s20], $0x80, v2, vm1, $0xb8;
	[tilespmem:$0x14000] =	vst v63  }
0x8c: {  	s21 =	simm.s32 @!p0 $0x6800  }
0x8d: {  	[tilespmem:s21], [sflag:$0x1] =	stream.indirect_vreg.gather @!p0 [hbm4b:s9+s20], $0x80, v2, vm1, $0xb8;
	[tilespmem:$0x14000] =	vst v63  }
0x8e: {  	s21 =	simm.s32 @!p0 $0x7000  }
0x8f: {  	[tilespmem:s21], [sflag:$0x1] =	stream.indirect_vreg.gather @!p0 [hbm4b:s10+s20], $0x80, v2, vm1, $0xb8;
	[tilespmem:$0x14000] =	vst v63  }
0x90: {  	s21 =	simm.s32 @!p0 $0x7800  }
0x91: {  	[tilespmem:s21], [sflag:$0x1] =	stream.indirect_vreg.gather @!p0 [hbm4b:s11+s20], $0x80, v2, vm1, $0xb8;
	[tilespmem:$0x14000] =	vst v63  }
0x92: {  	s21 =	simm.s32 @!p0 $0x8000  }
0x93: {  	[tilespmem:s21], [sflag:$0x1] =	stream.indirect_vreg.gather @!p0 [hbm4b:s12+s20], $0x80, v2, vm1, $0xb8;
	[tilespmem:$0x14000] =	vst v63  }
0x94: {  	s21 =	simm.s32 @!p0 $0x8800  }
0x95: {  	[tilespmem:s21], [sflag:$0x1] =	stream.indirect_vreg.gather @!p0 [hbm4b:s13+s20], $0x80, v2, vm1, $0xb8;
	[tilespmem:$0x14000] =	vst v63  }
0x96: {  	s21 =	simm.s32 @!p0 $0x9000  }
0x97: {  	[tilespmem:s21], [sflag:$0x1] =	stream.indirect_vreg.gather @!p0 [hbm4b:s14+s20], $0x80, v2, vm1, $0xb8;
	[tilespmem:$0x14000] =	vst v63  }
0x98: {  	s21 =	simm.s32 @!p0 $0x9800  }
0x99: {  	[tilespmem:s21], [sflag:$0x1] =	stream.indirect_vreg.gather @!p0 [hbm4b:s15+s20], $0x80, v2, vm1, $0xb8;
	[tilespmem:$0x14000] =	vst v63  }
0x9a: {  	s21 =	simm.s32 @!p0 $0xA000  }
0x9b: {  	[tilespmem:s21], [sflag:$0x1] =	stream.indirect_vreg.gather @!p0 [hbm4b:s16+s20], $0x80, v2, vm1, $0xb8;
	[tilespmem:$0x14000] =	vst v63  }
0x9c: {  	s21 =	simm.s32 @!p0 $0xA800  }
0x9d: {  	[tilespmem:s21], [sflag:$0x1] =	stream.indirect_vreg.gather @!p0 [hbm4b:s17+s20], $0x80, v2, vm1, $0xb8;
	[tilespmem:$0x14000] =	vst v63  }
0x9e: {  	s21 =	simm.s32 @!p0 $0xB000  }
0x9f: {  	[tilespmem:s21], [sflag:$0x1] =	stream.indirect_vreg.gather @!p0 [hbm4b:s18+s20], $0x80, v2, vm1, $0xb8;
	[tilespmem:$0x14000] =	vst v63  }
0xa0: {  	s28 =	sadd.s32 $0x2000, s28;
	s21 =	simm.s32 @!p0 $0xB800  }
0xa1: {  	[tilespmem:s21], [sflag:$0x1] =	stream.indirect_vreg.gather @!p0 [hbm4b:s19+s20], $0x80, v2, vm1, $0xb8;
	[tilespmem:$0x14000] =	vst v63  }
0xa2: {  	p0 =	sne.s32 s28, $0x80000  }
.Ltmp0:
0xa3: {  	_ = 	snop;
	(pc) =	sbr.rel @p0 .LBB2_2-.Ltmp0, $3  }
0xa4: {  	_ =	sdelay $0x1  }
0xa5: {  	s4 =	sadd.s32 $0x40, s4;
	s26 =	sadd.s32 $0x100, s26  }
0xa6: {  	[hbm4b:s4+s31] =	stream.strided.scatter [tilespmem:s30], [sflag:$0x4], $0x8000, s0, s31, $0x38;
	[tilespmem:$0x14000] =	vst v63  }
0xa7: {  	_ =	swait.ge [sflag:s24], $0x8000  }
0xa8: {  	s25 =	sadd.s32 $0x1, s25;
	s4 =	rddreg [dreg:$0x15]  }
0xa9: {  	p0 =	sne.s32 s25, s4  }
.Ltmp1:
0xaa: {  	_ = 	snop;
	(pc) =	sbr.rel @p0 .LBB2_1-.Ltmp1, $3  }
0xab: {  	_ =	sdelay $0x1  }
0xac: {  	[sflag:s24] =	ssyncset.done $0x0  }
0xad: {  	[sflag:s24] =	ssyncadd.s32 $0xFFFF8000  }
0xae: {  	_ =	sfence.sel $0x180000  }
0xaf: {  	[bflag:$0x0] =	sbarrier.arrive $0xFFFF  }
0xb0: {  	_ =	strace $0x90000047  }
0xb1: {  	s0 =	stileid.u32;
	[bflag:$0x2] =	sbarrier.arrive $0xFFFF  }
0xb2: {  	p0 =	sne.s32 s0, $0x0;
	s0 =	rddreg [dreg:$0x3]  }
0xb3: {  	s0 =	sadd.s32 @!p0 $0x100000, s0  }
0xb4: {  	[sflag:s0] =	ssyncadd.tile.s32 @!p0 $0x1;
	_ =	shalt  }
.Lfunc_end2:
_tile_overlayer_lowered:
.L_overlay_start_2:
0xb5: {  	(tag) =	ssettag $0x2  }
0xb6: {  	s0 =	rddreg [dreg:$0x0];
	s2 =	stileid.u32  }
0xb7: {  	s1 =	rddreg [dreg:$0x1];
	p0 =	sne.s32 s2, $0x0  }
0xb8: {  	s3 =	rddreg [dreg:$0x2];
	[bflag:$0x3] =	sbarrier.arrive $0xFFFF;
	s2 =	simm.s32 @!p0 $0x1C05  }
0xb9: {  	[timem:s3], [sflag:s2] =	dma.local @!p0 [hbm:s0], s1  }
0xba: {  	s0 =	simm.s32 @!p0 $0x5  }
0xbb: {  	_ =	swait.ge @!p0 [sflag:s0], s1  }
0xbc: {  	s1 =	ssub.s32 @!p0 $0x0, s1;
	[sflag:s0] =	ssyncset.done @!p0 $0x0  }
0xbd: {  	[sflag:s0] =	ssyncadd.s32 @!p0 s1  }
0xbe: {  	[bflag:$0x3] =	sbarrier.arrive $0xFFFF  }
0xbf: {  	_ =	shalt  }

</sc_bundles>
